<compile_context>
chip_gen: v7x
topology: tpu7x:2x2x1
jax: 0.10.2.dev20260603
libtpu: 0.0.44.dev20260713+nightly
codegen_flags: <defaults>
</compile_context>

<pallas_src>
import functools

import jax
import jax.numpy as jnp
from jax import lax
from jax.experimental import pallas as pl
from jax.experimental.pallas import tpu as pltpu
from jax.experimental.pallas import tpu_sc as plsc

T_ST, H_ST, W_ST = 16, 64, 64
HIDDEN = 768
D3 = HIDDEN // 3
BH = 16
NB = H_ST // BH
NBUF = 6
GRID = T_ST * NB



def _sc_gather(t_idx, h_idx, w_idx, temporal, height, width):
    del t_idx, h_idx, w_idx
    mesh = plsc.ScalarSubcoreMesh(axis_name="c", num_cores=1)

    @functools.partial(
        pl.kernel,
        mesh=mesh,
        out_type=(
            jax.ShapeDtypeStruct((T_ST, D3), jnp.float32),
            jax.ShapeDtypeStruct((H_ST, D3), jnp.float32),
            jax.ShapeDtypeStruct((W_ST, D3), jnp.float32),
        ),
        scratch_types=(
            pltpu.SemaphoreType.DMA,
            pltpu.SemaphoreType.DMA,
            pltpu.SemaphoreType.DMA,
        ),
    )
    def k(t_hbm, h_hbm, w_hbm, t_out, h_out, w_out, sem_t, sem_h, sem_w):
        ct = pltpu.async_copy(t_hbm.at[pl.ds(0, T_ST)], t_out, sem_t)
        ch = pltpu.async_copy(h_hbm.at[pl.ds(0, H_ST)], h_out, sem_h)
        cw = pltpu.async_copy(w_hbm.at[pl.ds(0, W_ST)], w_out, sem_w)
        ct.wait()
        ch.wait()
        cw.wait()

    return k(temporal, height, width)



def _tc_body(t_ref, h_ref, w_ref, out_ref, scratch, sem):
    i = pl.program_id(0)
    t = i // NB
    hb = i % NB
    buf = jax.lax.rem(i, NBUF)

    dst = out_ref.at[t, pl.ds(hb * BH, BH), :, :]

    @pl.when(i >= NBUF)
    def _wait_prev():
        pltpu.make_async_copy(scratch.at[buf], dst, sem.at[buf]).wait()

    shape = (BH, W_ST, D3)
    t_vec = t_ref[0]
    h_rows = h_ref[:, :]
    w_rows = w_ref[:, :]
    scratch[buf, :, :, 0:D3] = jnp.broadcast_to(t_vec[None, :, :], shape)
    scratch[buf, :, :, D3:2 * D3] = jnp.broadcast_to(h_rows[:, None, :], shape)
    scratch[buf, :, :, 2 * D3:HIDDEN] = jnp.broadcast_to(w_rows[None, :, :], shape)

    pltpu.make_async_copy(scratch.at[buf], dst, sem.at[buf]).start()

    @pl.when(i == GRID - 1)
    def _drain():
        for b in range(NBUF):
            pltpu.make_async_copy(scratch.at[b], dst, sem.at[b]).wait()


def kernel(T, H, W, temporal_embed, height_embed, width_embed):
    t_idx = jnp.arange(T_ST, dtype=jnp.int32) + jnp.asarray(T, jnp.int32) - T_ST
    h_idx = jnp.arange(H_ST, dtype=jnp.int32) + jnp.asarray(H, jnp.int32) - H_ST
    w_idx = jnp.arange(W_ST, dtype=jnp.int32) + jnp.asarray(W, jnp.int32) - W_ST

    t_emb, h_emb, w_emb = _sc_gather(
        t_idx, h_idx, w_idx, temporal_embed, height_embed, width_embed)

    out4 = pl.pallas_call(
        _tc_body,
        grid=(GRID,),
        in_specs=[
            pl.BlockSpec((1, 1, D3), lambda i: (i // NB, 0, 0)),
            pl.BlockSpec((BH, D3), lambda i: (i % NB, 0)),
            pl.BlockSpec((W_ST, D3), lambda i: (0, 0)),
        ],
        out_specs=pl.BlockSpec(memory_space=pl.ANY),
        scratch_shapes=[
            pltpu.VMEM((NBUF, BH, W_ST, HIDDEN), jnp.float32),
            pltpu.SemaphoreType.DMA((NBUF,)),
        ],
        out_shape=jax.ShapeDtypeStruct((T_ST, H_ST, W_ST, HIDDEN), jnp.float32),
    )(t_emb.reshape(-1, 1, D3), h_emb, w_emb)
    return out4.reshape(T_ST * H_ST * W_ST, HIDDEN)

# --- scband reference (transcript-rebuilt; emitter-appended) ---
"""Pipeline reference for scband-positional-encoding3-d-48361331753491 (READ-ONLY COPY).

The authoritative reference and input builder live on the scoring server;
editing this copy changes nothing except your own understanding.
"""

import jax, jax.numpy as jnp
import numpy as np

HIDDEN = 768
MAX_T = 128
MAX_S = 256
D3 = HIDDEN // 3
DW = D3 + (HIDDEN % 3)


def setup_inputs(seed: int = 0) -> dict:
    key = jax.random.key(seed)
    k1, k2, k3 = jax.random.split(key, 3)
    return {
        "T": 16,
        "H": 64,
        "W": 64,
        "temporal_embed": jax.random.normal(k1, (MAX_T, D3), dtype=jnp.float32),
        "height_embed": jax.random.normal(k2, (MAX_S, D3), dtype=jnp.float32),
        "width_embed": jax.random.normal(k3, (MAX_S, DW), dtype=jnp.float32),
    }


def reference(T, H, W, temporal_embed, height_embed, width_embed):
    T_static, H_static, W_static = 16, 64, 64
    t_pos = jnp.arange(T_static) + (T - T_static)
    h_pos = jnp.arange(H_static) + (H - H_static)
    w_pos = jnp.arange(W_static) + (W - W_static)
    # embedding lookups (gathers)
    t_emb = jnp.take(temporal_embed, t_pos, axis=0)  # [T, D3]
    h_emb = jnp.take(height_embed, h_pos, axis=0)    # [H, D3]
    w_emb = jnp.take(width_embed, w_pos, axis=0)     # [W, DW]
    # broadcast to full 3D grid
    t_grid = jnp.broadcast_to(t_emb[:, None, None, :], (T_static, H_static, W_static, t_emb.shape[-1]))
    h_grid = jnp.broadcast_to(h_emb[None, :, None, :], (T_static, H_static, W_static, h_emb.shape[-1]))
    w_grid = jnp.broadcast_to(w_emb[None, None, :, :], (T_static, H_static, W_static, w_emb.shape[-1]))
    pos_encoding = jnp.concatenate([t_grid, h_grid, w_grid], axis=-1)
    pos_encoding = pos_encoding.reshape(T_static * H_static * W_static, -1)  # (t h w) d
    return pos_encoding

if __name__ == "__main__":
    import jax
    _d = setup_inputs()
    print(jax.jit(kernel)(*tuple(_d.values())))

</pallas_src>

<mosaic_0001>
#map = affine_map<(d0) -> (0, 0)>
module attributes {stable_mosaic.version = 14 : i64} {
  func.func @k(%arg0: i32, %arg1: memref<128x256xf32, #tpu.memory_space<hbm>>, %arg2: memref<256x256xf32, #tpu.memory_space<hbm>>, %arg3: memref<256x256xf32, #tpu.memory_space<hbm>>, %arg4: memref<16x256xf32, #tpu.memory_space<hbm>>, %arg5: memref<64x256xf32, #tpu.memory_space<hbm>>, %arg6: memref<64x256xf32, #tpu.memory_space<hbm>>, %arg7: memref<!tpu.dma_semaphore, #tpu.memory_space<semaphore_mem>>, %arg8: memref<!tpu.dma_semaphore, #tpu.memory_space<semaphore_mem>>, %arg9: memref<!tpu.dma_semaphore, #tpu.memory_space<semaphore_mem>>) attributes {dimension_semantics = [#tpu.dimension_semantics<core_parallel>], iteration_bounds = array<i64: 1>, scalar_prefetch = 0 : i64, scratch_operands = 3 : i64, tpu.core_type = #tpu.core_type<sc_scalar_subcore>, window_params = [{transform_indices = #map}, {transform_indices = #map}, {transform_indices = #map}, {transform_indices = #map}, {transform_indices = #map}, {transform_indices = #map}]} {
    %dma_start3A = arith.constant 0 : i32
    %dma_start3A_0 = arith.constant 0 : i32
    %dma_start3A_1 = tpu.memref_slice %arg1[%dma_start3A, %dma_start3A_0] : memref<128x256xf32, #tpu.memory_space<hbm>> -> memref<16x256xf32, #tpu.memory_space<hbm>>
    tpu.enqueue_dma source(%dma_start3A_1 : memref<16x256xf32, #tpu.memory_space<hbm>>) target(%arg4 : memref<16x256xf32, #tpu.memory_space<hbm>>) target_semaphore(%arg7 : memref<!tpu.dma_semaphore, #tpu.memory_space<semaphore_mem>>)
    %dma_start3A_2 = arith.constant 0 : i32
    %dma_start3A_3 = arith.constant 0 : i32
    %dma_start3A_4 = tpu.memref_slice %arg2[%dma_start3A_2, %dma_start3A_3] : memref<256x256xf32, #tpu.memory_space<hbm>> -> memref<64x256xf32, #tpu.memory_space<hbm>>
    tpu.enqueue_dma source(%dma_start3A_4 : memref<64x256xf32, #tpu.memory_space<hbm>>) target(%arg5 : memref<64x256xf32, #tpu.memory_space<hbm>>) target_semaphore(%arg8 : memref<!tpu.dma_semaphore, #tpu.memory_space<semaphore_mem>>)
    %dma_start3A_5 = arith.constant 0 : i32
    %dma_start3A_6 = arith.constant 0 : i32
    %dma_start3A_7 = tpu.memref_slice %arg3[%dma_start3A_5, %dma_start3A_6] : memref<256x256xf32, #tpu.memory_space<hbm>> -> memref<64x256xf32, #tpu.memory_space<hbm>>
    tpu.enqueue_dma source(%dma_start3A_7 : memref<64x256xf32, #tpu.memory_space<hbm>>) target(%arg6 : memref<64x256xf32, #tpu.memory_space<hbm>>) target_semaphore(%arg9 : memref<!tpu.dma_semaphore, #tpu.memory_space<semaphore_mem>>)
    %dma_wait3A = arith.constant 0 : i32
    %dma_wait3A_8 = arith.constant 0 : i32
    %dma_wait3A_9 = tpu.memref_slice %arg1[%dma_wait3A, %dma_wait3A_8] : memref<128x256xf32, #tpu.memory_space<hbm>> -> memref<16x256xf32, #tpu.memory_space<hbm>>
    tpu.wait_dma2 semaphore(%arg7 : memref<!tpu.dma_semaphore, #tpu.memory_space<semaphore_mem>>) src(%dma_wait3A_9 : memref<16x256xf32, #tpu.memory_space<hbm>>) dst(%arg4 : memref<16x256xf32, #tpu.memory_space<hbm>>)
    %dma_wait3A_10 = arith.constant 0 : i32
    %dma_wait3A_11 = arith.constant 0 : i32
    %dma_wait3A_12 = tpu.memref_slice %arg2[%dma_wait3A_10, %dma_wait3A_11] : memref<256x256xf32, #tpu.memory_space<hbm>> -> memref<64x256xf32, #tpu.memory_space<hbm>>
    tpu.wait_dma2 semaphore(%arg8 : memref<!tpu.dma_semaphore, #tpu.memory_space<semaphore_mem>>) src(%dma_wait3A_12 : memref<64x256xf32, #tpu.memory_space<hbm>>) dst(%arg5 : memref<64x256xf32, #tpu.memory_space<hbm>>)
    %dma_wait3A_13 = arith.constant 0 : i32
    %dma_wait3A_14 = arith.constant 0 : i32
    %dma_wait3A_15 = tpu.memref_slice %arg3[%dma_wait3A_13, %dma_wait3A_14] : memref<256x256xf32, #tpu.memory_space<hbm>> -> memref<64x256xf32, #tpu.memory_space<hbm>>
    tpu.wait_dma2 semaphore(%arg9 : memref<!tpu.dma_semaphore, #tpu.memory_space<semaphore_mem>>) src(%dma_wait3A_15 : memref<64x256xf32, #tpu.memory_space<hbm>>) dst(%arg6 : memref<64x256xf32, #tpu.memory_space<hbm>>)
    return
  }
}

module attributes {stable_mosaic.version = 14 : i64} {
  func.func @_tc_body(%arg0: i32, %arg1: memref<1x1x256xf32, #tpu.memory_space<vmem>>, %arg2: memref<16x256xf32, #tpu.memory_space<vmem>>, %arg3: memref<64x256xf32, #tpu.memory_space<vmem>>, %arg4: memref<16x64x64x768xf32, #tpu.memory_space<any>>, %arg5: memref<6x16x64x768xf32, #tpu.memory_space<vmem>>, %arg6: memref<6x!tpu.dma_semaphore, #tpu.memory_space<semaphore_mem>>) attributes {dimension_semantics = [#tpu.dimension_semantics<arbitrary>], iteration_bounds = array<i64: 64>, scalar_prefetch = 0 : i64, scratch_operands = 2 : i64, tpu.core_type = #tpu.core_type<tc>, window_params = [{transform_indices = @transform_0, window_bounds = array<i64: 1, 1, 256>}, {transform_indices = @transform_1, window_bounds = array<i64: 16, 256>}, {pipeline_mode = #tpu.pipeline_mode<synchronous>, transform_indices = @transform_2, window_bounds = array<i64: 64, 256>}, {}]} {
    %jit3A = arith.constant 4 : i32
    %div3A = arith.divsi %arg0, %jit3A : i32
    %sign3A = arith.constant 0 : i32
    %sign3A_0 = arith.cmpi sgt, %arg0, %sign3A : i32
    %sign3A_1 = arith.extui %sign3A_0 : i1 to i32
    %sign3A_2 = arith.constant 0 : i32
    %sign3A_3 = arith.cmpi slt, %arg0, %sign3A_2 : i32
    %sign3A_4 = arith.extui %sign3A_3 : i1 to i32
    %sign3A_5 = arith.subi %sign3A_1, %sign3A_4 : i32
    %sign3A_6 = arith.constant 0 : i32
    %sign3A_7 = arith.cmpi sgt, %jit3A, %sign3A_6 : i32
    %sign3A_8 = arith.extui %sign3A_7 : i1 to i32
    %sign3A_9 = arith.constant 0 : i32
    %sign3A_10 = arith.cmpi slt, %jit3A, %sign3A_9 : i32
    %sign3A_11 = arith.extui %sign3A_10 : i1 to i32
    %sign3A_12 = arith.subi %sign3A_8, %sign3A_11 : i32
    %ne3A = arith.cmpi ne, %sign3A_5, %sign3A_12 : i32
    %rem3A = arith.remsi %arg0, %jit3A : i32
    %ne3A_13 = arith.constant 0 : i32
    %ne3A_14 = arith.cmpi ne, %rem3A, %ne3A_13 : i32
    %and3A = arith.andi %ne3A, %ne3A_14 : i1
    %sub3A = arith.constant 1 : i32
    %sub3A_15 = arith.subi %div3A, %sub3A : i32
    %select_n3A = arith.select %and3A, %sub3A_15, %div3A : i32
    %jit3A_16 = arith.constant 4 : i32
    %eq3A = arith.constant 0 : i32
    %eq3A_17 = arith.cmpi eq, %jit3A_16, %eq3A : i32
    %jit3A_18 = arith.constant 1 : i32
    %select_n3A_19 = arith.select %eq3A_17, %jit3A_18, %jit3A_16 : i32
    %rem3A_20 = arith.remsi %arg0, %select_n3A_19 : i32
    %ne3A_21 = arith.constant 0 : i32
    %ne3A_22 = arith.cmpi ne, %rem3A_20, %ne3A_21 : i32
    %lt3A = arith.constant 0 : i32
    %lt3A_23 = arith.cmpi slt, %rem3A_20, %lt3A : i32
    %lt3A_24 = arith.constant 0 : i32
    %lt3A_25 = arith.cmpi slt, %select_n3A_19, %lt3A_24 : i32
    %ne3A_26 = arith.xori %lt3A_23, %lt3A_25 : i1
    %and3A_27 = arith.andi %ne3A_26, %ne3A_22 : i1
    %add3A = arith.addi %rem3A_20, %select_n3A_19 : i32
    %select_n3A_28 = arith.select %and3A_27, %add3A, %rem3A_20 : i32
    %rem3A_29 = arith.constant 6 : i32
    %rem3A_30 = arith.remsi %arg0, %rem3A_29 : i32
    %mul3A = arith.constant 16 : i32
    %mul3A_31 = arith.muli %select_n3A_28, %mul3A : i32
    %ge3A = arith.constant 6 : i32
    %ge3A_32 = arith.cmpi sge, %arg0, %ge3A : i32
    %convert_element_type3A = arith.extui %ge3A_32 : i1 to i32
    %cond3A = arith.constant 0 : i32
    %cond3A_33 = arith.cmpi ne, %convert_element_type3A, %cond3A : i32
    scf.if %cond3A_33 {
      %dma_wait3A = tpu.memref_slice %arg6[%rem3A_30] : memref<6x!tpu.dma_semaphore, #tpu.memory_space<semaphore_mem>> -> memref<1x!tpu.dma_semaphore, #tpu.memory_space<semaphore_mem>>
      %dma_wait3A_87 = tpu.memref_squeeze %dma_wait3A : memref<1x!tpu.dma_semaphore, #tpu.memory_space<semaphore_mem>> -> memref<!tpu.dma_semaphore, #tpu.memory_space<semaphore_mem>>
      %dma_wait3A_88 = arith.constant 0 : i32
      %dma_wait3A_89 = arith.constant 0 : i32
      %dma_wait3A_90 = tpu.memref_slice %arg4[%select_n3A, %mul3A_31, %dma_wait3A_88, %dma_wait3A_89] : memref<16x64x64x768xf32, #tpu.memory_space<any>> -> memref<1x16x64x768xf32, #tpu.memory_space<any>>
      %dma_wait3A_91 = tpu.memref_squeeze %dma_wait3A_90 : memref<1x16x64x768xf32, #tpu.memory_space<any>> -> memref<16x64x768xf32, #tpu.memory_space<any>>
      %dma_wait3A_92 = arith.constant 0 : i32
      %dma_wait3A_93 = arith.constant 0 : i32
      %dma_wait3A_94 = arith.constant 0 : i32
      %dma_wait3A_95 = tpu.memref_slice %arg5[%rem3A_30, %dma_wait3A_92, %dma_wait3A_93, %dma_wait3A_94] : memref<6x16x64x768xf32, #tpu.memory_space<vmem>> -> memref<1x16x64x768xf32, #tpu.memory_space<vmem>>
      %dma_wait3A_96 = tpu.memref_squeeze %dma_wait3A_95 : memref<1x16x64x768xf32, #tpu.memory_space<vmem>> -> memref<16x64x768xf32, #tpu.memory_space<vmem>>
      tpu.wait_dma2 semaphore(%dma_wait3A_87 : memref<!tpu.dma_semaphore, #tpu.memory_space<semaphore_mem>>) src(%dma_wait3A_96 : memref<16x64x768xf32, #tpu.memory_space<vmem>>) dst(%dma_wait3A_91 : memref<16x64x768xf32, #tpu.memory_space<any>>)
    } else {
    }
    %get3A = arith.constant 0 : index
    %get3A_34 = arith.constant 0 : index
    %get3A_35 = arith.constant 0 : index
    %get3A_36 = vector.load %arg1[%get3A, %get3A_34, %get3A_35] : memref<1x1x256xf32, #tpu.memory_space<vmem>>, vector<1x1x256xf32>
    %get3A_37 = vector.shape_cast %get3A_36 : vector<1x1x256xf32> to vector<1x256xf32>
    %get3A_38 = arith.constant 0 : index
    %get3A_39 = arith.constant 0 : index
    %get3A_40 = vector.load %arg2[%get3A_38, %get3A_39] : memref<16x256xf32, #tpu.memory_space<vmem>>, vector<16x256xf32>
    %get3A_41 = arith.constant 0 : index
    %get3A_42 = arith.constant 0 : index
    %get3A_43 = vector.load %arg3[%get3A_41, %get3A_42] : memref<64x256xf32, #tpu.memory_space<vmem>>, vector<64x256xf32>
    %broadcast_in_dim3A = vector.shape_cast %get3A_37 : vector<1x256xf32> to vector<1x1x256xf32>
    %broadcast_in_dim3A_44 = vector.shape_cast %broadcast_in_dim3A : vector<1x1x256xf32> to vector<1x1x256xf32>
    %broadcast_in_dim3A_45 = vector.broadcast %broadcast_in_dim3A_44 : vector<1x1x256xf32> to vector<16x64x256xf32>
    %swap3A = arith.index_cast %rem3A_30 : i32 to index
    %swap3A_46 = arith.constant 0 : index
    %swap3A_47 = arith.constant 0 : index
    %swap3A_48 = arith.constant 0 : index
    %swap3A_49 = vector.load %arg5[%swap3A, %swap3A_46, %swap3A_47, %swap3A_48] : memref<6x16x64x768xf32, #tpu.memory_space<vmem>>, vector<1x16x64x256xf32>
    %swap3A_50 = vector.shape_cast %swap3A_49 : vector<1x16x64x256xf32> to vector<16x64x256xf32>
    %swap3A_51 = vector.shape_cast %broadcast_in_dim3A_45 : vector<16x64x256xf32> to vector<1x16x64x256xf32>
    tpu.vector_store %arg5[%swap3A, %swap3A_46, %swap3A_47, %swap3A_48], %swap3A_51 {strides = array<i32>} : memref<6x16x64x768xf32, #tpu.memory_space<vmem>>, vector<1x16x64x256xf32>,
    %broadcast_in_dim3A_52 = vector.shape_cast %get3A_40 : vector<16x256xf32> to vector<16x1x256xf32>
    %broadcast_in_dim3A_53 = vector.shape_cast %broadcast_in_dim3A_52 : vector<16x1x256xf32> to vector<16x1x256xf32>
    %broadcast_in_dim3A_54 = vector.broadcast %broadcast_in_dim3A_53 : vector<16x1x256xf32> to vector<16x64x256xf32>
    %swap3A_55 = arith.index_cast %rem3A_30 : i32 to index
    %swap3A_56 = arith.constant 0 : index
    %swap3A_57 = arith.constant 0 : index
    %swap3A_58 = arith.constant 256 : index
    %swap3A_59 = vector.load %arg5[%swap3A_55, %swap3A_56, %swap3A_57, %swap3A_58] : memref<6x16x64x768xf32, #tpu.memory_space<vmem>>, vector<1x16x64x256xf32>
    %swap3A_60 = vector.shape_cast %swap3A_59 : vector<1x16x64x256xf32> to vector<16x64x256xf32>
    %swap3A_61 = vector.shape_cast %broadcast_in_dim3A_54 : vector<16x64x256xf32> to vector<1x16x64x256xf32>
    tpu.vector_store %arg5[%swap3A_55, %swap3A_56, %swap3A_57, %swap3A_58], %swap3A_61 {strides = array<i32>} : memref<6x16x64x768xf32, #tpu.memory_space<vmem>>, vector<1x16x64x256xf32>,
    %broadcast_in_dim3A_62 = vector.shape_cast %get3A_43 : vector<64x256xf32> to vector<1x64x256xf32>
    %broadcast_in_dim3A_63 = vector.shape_cast %broadcast_in_dim3A_62 : vector<1x64x256xf32> to vector<1x64x256xf32>
    %broadcast_in_dim3A_64 = vector.broadcast %broadcast_in_dim3A_63 : vector<1x64x256xf32> to vector<16x64x256xf32>
    %swap3A_65 = arith.index_cast %rem3A_30 : i32 to index
    %swap3A_66 = arith.constant 0 : index
    %swap3A_67 = arith.constant 0 : index
    %swap3A_68 = arith.constant 512 : index
    %swap3A_69 = vector.load %arg5[%swap3A_65, %swap3A_66, %swap3A_67, %swap3A_68] : memref<6x16x64x768xf32, #tpu.memory_space<vmem>>, vector<1x16x64x256xf32>
    %swap3A_70 = vector.shape_cast %swap3A_69 : vector<1x16x64x256xf32> to vector<16x64x256xf32>
    %swap3A_71 = vector.shape_cast %broadcast_in_dim3A_64 : vector<16x64x256xf32> to vector<1x16x64x256xf32>
    tpu.vector_store %arg5[%swap3A_65, %swap3A_66, %swap3A_67, %swap3A_68], %swap3A_71 {strides = array<i32>} : memref<6x16x64x768xf32, #tpu.memory_space<vmem>>, vector<1x16x64x256xf32>,
    %dma_start3A = tpu.memref_slice %arg6[%rem3A_30] : memref<6x!tpu.dma_semaphore, #tpu.memory_space<semaphore_mem>> -> memref<1x!tpu.dma_semaphore, #tpu.memory_space<semaphore_mem>>
    %dma_start3A_72 = tpu.memref_squeeze %dma_start3A : memref<1x!tpu.dma_semaphore, #tpu.memory_space<semaphore_mem>> -> memref<!tpu.dma_semaphore, #tpu.memory_space<semaphore_mem>>
    %dma_start3A_73 = arith.constant 0 : i32
    %dma_start3A_74 = arith.constant 0 : i32
    %dma_start3A_75 = tpu.memref_slice %arg4[%select_n3A, %mul3A_31, %dma_start3A_73, %dma_start3A_74] : memref<16x64x64x768xf32, #tpu.memory_space<any>> -> memref<1x16x64x768xf32, #tpu.memory_space<any>>
    %dma_start3A_76 = tpu.memref_squeeze %dma_start3A_75 : memref<1x16x64x768xf32, #tpu.memory_space<any>> -> memref<16x64x768xf32, #tpu.memory_space<any>>
    %dma_start3A_77 = arith.constant 0 : i32
    %dma_start3A_78 = arith.constant 0 : i32
    %dma_start3A_79 = arith.constant 0 : i32
    %dma_start3A_80 = tpu.memref_slice %arg5[%rem3A_30, %dma_start3A_77, %dma_start3A_78, %dma_start3A_79] : memref<6x16x64x768xf32, #tpu.memory_space<vmem>> -> memref<1x16x64x768xf32, #tpu.memory_space<vmem>>
    %dma_start3A_81 = tpu.memref_squeeze %dma_start3A_80 : memref<1x16x64x768xf32, #tpu.memory_space<vmem>> -> memref<16x64x768xf32, #tpu.memory_space<vmem>>
    tpu.enqueue_dma source(%dma_start3A_81 : memref<16x64x768xf32, #tpu.memory_space<vmem>>) target(%dma_start3A_76 : memref<16x64x768xf32, #tpu.memory_space<any>>) target_semaphore(%dma_start3A_72 : memref<!tpu.dma_semaphore, #tpu.memory_space<semaphore_mem>>)
    %eq3A_82 = arith.constant 63 : i32
    %eq3A_83 = arith.cmpi eq, %arg0, %eq3A_82 : i32
    %convert_element_type3A_84 = arith.extui %eq3A_83 : i1 to i32
    %cond3A_85 = arith.constant 0 : i32
    %cond3A_86 = arith.cmpi ne, %convert_element_type3A_84, %cond3A_85 : i32
    scf.if %cond3A_86 {
      %dma_wait3A = arith.constant 0 : i32
      %dma_wait3A_87 = arith.constant 0 : i32
      %dma_wait3A_88 = tpu.memref_slice %arg6[%dma_wait3A_87] : memref<6x!tpu.dma_semaphore, #tpu.memory_space<semaphore_mem>> -> memref<1x!tpu.dma_semaphore, #tpu.memory_space<semaphore_mem>>
      %dma_wait3A_89 = tpu.memref_squeeze %dma_wait3A_88 : memref<1x!tpu.dma_semaphore, #tpu.memory_space<semaphore_mem>> -> memref<!tpu.dma_semaphore, #tpu.memory_space<semaphore_mem>>
      %dma_wait3A_90 = arith.constant 0 : i32
      %dma_wait3A_91 = arith.constant 0 : i32
      %dma_wait3A_92 = tpu.memref_slice %arg4[%select_n3A, %mul3A_31, %dma_wait3A_90, %dma_wait3A_91] : memref<16x64x64x768xf32, #tpu.memory_space<any>> -> memref<1x16x64x768xf32, #tpu.memory_space<any>>
      %dma_wait3A_93 = tpu.memref_squeeze %dma_wait3A_92 : memref<1x16x64x768xf32, #tpu.memory_space<any>> -> memref<16x64x768xf32, #tpu.memory_space<any>>
      %dma_wait3A_94 = arith.constant 0 : i32
      %dma_wait3A_95 = arith.constant 0 : i32
      %dma_wait3A_96 = arith.constant 0 : i32
      %dma_wait3A_97 = tpu.memref_slice %arg5[%dma_wait3A, %dma_wait3A_94, %dma_wait3A_95, %dma_wait3A_96] : memref<6x16x64x768xf32, #tpu.memory_space<vmem>> -> memref<1x16x64x768xf32, #tpu.memory_space<vmem>>
      %dma_wait3A_98 = tpu.memref_squeeze %dma_wait3A_97 : memref<1x16x64x768xf32, #tpu.memory_space<vmem>> -> memref<16x64x768xf32, #tpu.memory_space<vmem>>
      tpu.wait_dma2 semaphore(%dma_wait3A_89 : memref<!tpu.dma_semaphore, #tpu.memory_space<semaphore_mem>>) src(%dma_wait3A_98 : memref<16x64x768xf32, #tpu.memory_space<vmem>>) dst(%dma_wait3A_93 : memref<16x64x768xf32, #tpu.memory_space<any>>)
      %dma_wait3A_99 = arith.constant 1 : i32
      %dma_wait3A_100 = arith.constant 1 : i32
      %dma_wait3A_101 = tpu.memref_slice %arg6[%dma_wait3A_100] : memref<6x!tpu.dma_semaphore, #tpu.memory_space<semaphore_mem>> -> memref<1x!tpu.dma_semaphore, #tpu.memory_space<semaphore_mem>>
      %dma_wait3A_102 = tpu.memref_squeeze %dma_wait3A_101 : memref<1x!tpu.dma_semaphore, #tpu.memory_space<semaphore_mem>> -> memref<!tpu.dma_semaphore, #tpu.memory_space<semaphore_mem>>
      %dma_wait3A_103 = arith.constant 0 : i32
      %dma_wait3A_104 = arith.constant 0 : i32
      %dma_wait3A_105 = tpu.memref_slice %arg4[%select_n3A, %mul3A_31, %dma_wait3A_103, %dma_wait3A_104] : memref<16x64x64x768xf32, #tpu.memory_space<any>> -> memref<1x16x64x768xf32, #tpu.memory_space<any>>
      %dma_wait3A_106 = tpu.memref_squeeze %dma_wait3A_105 : memref<1x16x64x768xf32, #tpu.memory_space<any>> -> memref<16x64x768xf32, #tpu.memory_space<any>>
      %dma_wait3A_107 = arith.constant 0 : i32
      %dma_wait3A_108 = arith.constant 0 : i32
      %dma_wait3A_109 = arith.constant 0 : i32
      %dma_wait3A_110 = tpu.memref_slice %arg5[%dma_wait3A_99, %dma_wait3A_107, %dma_wait3A_108, %dma_wait3A_109] : memref<6x16x64x768xf32, #tpu.memory_space<vmem>> -> memref<1x16x64x768xf32, #tpu.memory_space<vmem>>
      %dma_wait3A_111 = tpu.memref_squeeze %dma_wait3A_110 : memref<1x16x64x768xf32, #tpu.memory_space<vmem>> -> memref<16x64x768xf32, #tpu.memory_space<vmem>>
      tpu.wait_dma2 semaphore(%dma_wait3A_102 : memref<!tpu.dma_semaphore, #tpu.memory_space<semaphore_mem>>) src(%dma_wait3A_111 : memref<16x64x768xf32, #tpu.memory_space<vmem>>) dst(%dma_wait3A_106 : memref<16x64x768xf32, #tpu.memory_space<any>>)
      %dma_wait3A_112 = arith.constant 2 : i32
      %dma_wait3A_113 = arith.constant 2 : i32
      %dma_wait3A_114 = tpu.memref_slice %arg6[%dma_wait3A_113] : memref<6x!tpu.dma_semaphore, #tpu.memory_space<semaphore_mem>> -> memref<1x!tpu.dma_semaphore, #tpu.memory_space<semaphore_mem>>
      %dma_wait3A_115 = tpu.memref_squeeze %dma_wait3A_114 : memref<1x!tpu.dma_semaphore, #tpu.memory_space<semaphore_mem>> -> memref<!tpu.dma_semaphore, #tpu.memory_space<semaphore_mem>>
      %dma_wait3A_116 = arith.constant 0 : i32
      %dma_wait3A_117 = arith.constant 0 : i32
      %dma_wait3A_118 = tpu.memref_slice %arg4[%select_n3A, %mul3A_31, %dma_wait3A_116, %dma_wait3A_117] : memref<16x64x64x768xf32, #tpu.memory_space<any>> -> memref<1x16x64x768xf32, #tpu.memory_space<any>>
      %dma_wait3A_119 = tpu.memref_squeeze %dma_wait3A_118 : memref<1x16x64x768xf32, #tpu.memory_space<any>> -> memref<16x64x768xf32, #tpu.memory_space<any>>
      %dma_wait3A_120 = arith.constant 0 : i32
      %dma_wait3A_121 = arith.constant 0 : i32
      %dma_wait3A_122 = arith.constant 0 : i32
      %dma_wait3A_123 = tpu.memref_slice %arg5[%dma_wait3A_112, %dma_wait3A_120, %dma_wait3A_121, %dma_wait3A_122] : memref<6x16x64x768xf32, #tpu.memory_space<vmem>> -> memref<1x16x64x768xf32, #tpu.memory_space<vmem>>
      %dma_wait3A_124 = tpu.memref_squeeze %dma_wait3A_123 : memref<1x16x64x768xf32, #tpu.memory_space<vmem>> -> memref<16x64x768xf32, #tpu.memory_space<vmem>>
      tpu.wait_dma2 semaphore(%dma_wait3A_115 : memref<!tpu.dma_semaphore, #tpu.memory_space<semaphore_mem>>) src(%dma_wait3A_124 : memref<16x64x768xf32, #tpu.memory_space<vmem>>) dst(%dma_wait3A_119 : memref<16x64x768xf32, #tpu.memory_space<any>>)
      %dma_wait3A_125 = arith.constant 3 : i32
      %dma_wait3A_126 = arith.constant 3 : i32
      %dma_wait3A_127 = tpu.memref_slice %arg6[%dma_wait3A_126] : memref<6x!tpu.dma_semaphore, #tpu.memory_space<semaphore_mem>> -> memref<1x!tpu.dma_semaphore, #tpu.memory_space<semaphore_mem>>
      %dma_wait3A_128 = tpu.memref_squeeze %dma_wait3A_127 : memref<1x!tpu.dma_semaphore, #tpu.memory_space<semaphore_mem>> -> memref<!tpu.dma_semaphore, #tpu.memory_space<semaphore_mem>>
      %dma_wait3A_129 = arith.constant 0 : i32
      %dma_wait3A_130 = arith.constant 0 : i32
      %dma_wait3A_131 = tpu.memref_slice %arg4[%select_n3A, %mul3A_31, %dma_wait3A_129, %dma_wait3A_130] : memref<16x64x64x768xf32, #tpu.memory_space<any>> -> memref<1x16x64x768xf32, #tpu.memory_space<any>>
      %dma_wait3A_132 = tpu.memref_squeeze %dma_wait3A_131 : memref<1x16x64x768xf32, #tpu.memory_space<any>> -> memref<16x64x768xf32, #tpu.memory_space<any>>
      %dma_wait3A_133 = arith.constant 0 : i32
      %dma_wait3A_134 = arith.constant 0 : i32
      %dma_wait3A_135 = arith.constant 0 : i32
      %dma_wait3A_136 = tpu.memref_slice %arg5[%dma_wait3A_125, %dma_wait3A_133, %dma_wait3A_134, %dma_wait3A_135] : memref<6x16x64x768xf32, #tpu.memory_space<vmem>> -> memref<1x16x64x768xf32, #tpu.memory_space<vmem>>
      %dma_wait3A_137 = tpu.memref_squeeze %dma_wait3A_136 : memref<1x16x64x768xf32, #tpu.memory_space<vmem>> -> memref<16x64x768xf32, #tpu.memory_space<vmem>>
      tpu.wait_dma2 semaphore(%dma_wait3A_128 : memref<!tpu.dma_semaphore, #tpu.memory_space<semaphore_mem>>) src(%dma_wait3A_137 : memref<16x64x768xf32, #tpu.memory_space<vmem>>) dst(%dma_wait3A_132 : memref<16x64x768xf32, #tpu.memory_space<any>>)
      %dma_wait3A_138 = arith.constant 4 : i32
      %dma_wait3A_139 = arith.constant 4 : i32
      %dma_wait3A_140 = tpu.memref_slice %arg6[%dma_wait3A_139] : memref<6x!tpu.dma_semaphore, #tpu.memory_space<semaphore_mem>> -> memref<1x!tpu.dma_semaphore, #tpu.memory_space<semaphore_mem>>
      %dma_wait3A_141 = tpu.memref_squeeze %dma_wait3A_140 : memref<1x!tpu.dma_semaphore, #tpu.memory_space<semaphore_mem>> -> memref<!tpu.dma_semaphore, #tpu.memory_space<semaphore_mem>>
      %dma_wait3A_142 = arith.constant 0 : i32
      %dma_wait3A_143 = arith.constant 0 : i32
      %dma_wait3A_144 = tpu.memref_slice %arg4[%select_n3A, %mul3A_31, %dma_wait3A_142, %dma_wait3A_143] : memref<16x64x64x768xf32, #tpu.memory_space<any>> -> memref<1x16x64x768xf32, #tpu.memory_space<any>>
      %dma_wait3A_145 = tpu.memref_squeeze %dma_wait3A_144 : memref<1x16x64x768xf32, #tpu.memory_space<any>> -> memref<16x64x768xf32, #tpu.memory_space<any>>
      %dma_wait3A_146 = arith.constant 0 : i32
      %dma_wait3A_147 = arith.constant 0 : i32
      %dma_wait3A_148 = arith.constant 0 : i32
      %dma_wait3A_149 = tpu.memref_slice %arg5[%dma_wait3A_138, %dma_wait3A_146, %dma_wait3A_147, %dma_wait3A_148] : memref<6x16x64x768xf32, #tpu.memory_space<vmem>> -> memref<1x16x64x768xf32, #tpu.memory_space<vmem>>
      %dma_wait3A_150 = tpu.memref_squeeze %dma_wait3A_149 : memref<1x16x64x768xf32, #tpu.memory_space<vmem>> -> memref<16x64x768xf32, #tpu.memory_space<vmem>>
      tpu.wait_dma2 semaphore(%dma_wait3A_141 : memref<!tpu.dma_semaphore, #tpu.memory_space<semaphore_mem>>) src(%dma_wait3A_150 : memref<16x64x768xf32, #tpu.memory_space<vmem>>) dst(%dma_wait3A_145 : memref<16x64x768xf32, #tpu.memory_space<any>>)
      %dma_wait3A_151 = arith.constant 5 : i32
      %dma_wait3A_152 = arith.constant 5 : i32
      %dma_wait3A_153 = tpu.memref_slice %arg6[%dma_wait3A_152] : memref<6x!tpu.dma_semaphore, #tpu.memory_space<semaphore_mem>> -> memref<1x!tpu.dma_semaphore, #tpu.memory_space<semaphore_mem>>
      %dma_wait3A_154 = tpu.memref_squeeze %dma_wait3A_153 : memref<1x!tpu.dma_semaphore, #tpu.memory_space<semaphore_mem>> -> memref<!tpu.dma_semaphore, #tpu.memory_space<semaphore_mem>>
      %dma_wait3A_155 = arith.constant 0 : i32
      %dma_wait3A_156 = arith.constant 0 : i32
      %dma_wait3A_157 = tpu.memref_slice %arg4[%select_n3A, %mul3A_31, %dma_wait3A_155, %dma_wait3A_156] : memref<16x64x64x768xf32, #tpu.memory_space<any>> -> memref<1x16x64x768xf32, #tpu.memory_space<any>>
      %dma_wait3A_158 = tpu.memref_squeeze %dma_wait3A_157 : memref<1x16x64x768xf32, #tpu.memory_space<any>> -> memref<16x64x768xf32, #tpu.memory_space<any>>
      %dma_wait3A_159 = arith.constant 0 : i32
      %dma_wait3A_160 = arith.constant 0 : i32
      %dma_wait3A_161 = arith.constant 0 : i32
      %dma_wait3A_162 = tpu.memref_slice %arg5[%dma_wait3A_151, %dma_wait3A_159, %dma_wait3A_160, %dma_wait3A_161] : memref<6x16x64x768xf32, #tpu.memory_space<vmem>> -> memref<1x16x64x768xf32, #tpu.memory_space<vmem>>
      %dma_wait3A_163 = tpu.memref_squeeze %dma_wait3A_162 : memref<1x16x64x768xf32, #tpu.memory_space<vmem>> -> memref<16x64x768xf32, #tpu.memory_space<vmem>>
      tpu.wait_dma2 semaphore(%dma_wait3A_154 : memref<!tpu.dma_semaphore, #tpu.memory_space<semaphore_mem>>) src(%dma_wait3A_163 : memref<16x64x768xf32, #tpu.memory_space<vmem>>) dst(%dma_wait3A_158 : memref<16x64x768xf32, #tpu.memory_space<any>>)
    } else {
    }
    return
  }
  func.func @transform_0(%arg0: i32) -> (i32, i32, i32) {
    %jit3A = arith.constant 4 : i32
    %div3A = arith.divsi %arg0, %jit3A : i32
    %sign3A = arith.constant 0 : i32
    %sign3A_0 = arith.cmpi sgt, %arg0, %sign3A : i32
    %sign3A_1 = arith.extui %sign3A_0 : i1 to i32
    %sign3A_2 = arith.constant 0 : i32
    %sign3A_3 = arith.cmpi slt, %arg0, %sign3A_2 : i32
    %sign3A_4 = arith.extui %sign3A_3 : i1 to i32
    %sign3A_5 = arith.subi %sign3A_1, %sign3A_4 : i32
    %sign3A_6 = arith.constant 0 : i32
    %sign3A_7 = arith.cmpi sgt, %jit3A, %sign3A_6 : i32
    %sign3A_8 = arith.extui %sign3A_7 : i1 to i32
    %sign3A_9 = arith.constant 0 : i32
    %sign3A_10 = arith.cmpi slt, %jit3A, %sign3A_9 : i32
    %sign3A_11 = arith.extui %sign3A_10 : i1 to i32
    %sign3A_12 = arith.subi %sign3A_8, %sign3A_11 : i32
    %ne3A = arith.cmpi ne, %sign3A_5, %sign3A_12 : i32
    %rem3A = arith.remsi %arg0, %jit3A : i32
    %ne3A_13 = arith.constant 0 : i32
    %ne3A_14 = arith.cmpi ne, %rem3A, %ne3A_13 : i32
    %and3A = arith.andi %ne3A, %ne3A_14 : i1
    %sub3A = arith.constant 1 : i32
    %sub3A_15 = arith.subi %div3A, %sub3A : i32
    %select_n3A = arith.select %and3A, %sub3A_15, %div3A : i32
    %c0_i32 = arith.constant 0 : i32
    %c0_i32_16 = arith.constant 0 : i32
    %c0_i32_17 = arith.constant 0 : i32
    return %select_n3A, %c0_i32, %c0_i32_16 : i32, i32, i32
  }
  func.func @transform_1(%arg0: i32) -> (i32, i32) {
    %jit3A = arith.constant 4 : i32
    %eq3A = arith.constant 0 : i32
    %eq3A_0 = arith.cmpi eq, %jit3A, %eq3A : i32
    %jit3A_1 = arith.constant 1 : i32
    %select_n3A = arith.select %eq3A_0, %jit3A_1, %jit3A : i32
    %rem3A = arith.remsi %arg0, %select_n3A : i32
    %ne3A = arith.constant 0 : i32
    %ne3A_2 = arith.cmpi ne, %rem3A, %ne3A : i32
    %lt3A = arith.constant 0 : i32
    %lt3A_3 = arith.cmpi slt, %rem3A, %lt3A : i32
    %lt3A_4 = arith.constant 0 : i32
    %lt3A_5 = arith.cmpi slt, %select_n3A, %lt3A_4 : i32
    %ne3A_6 = arith.xori %lt3A_3, %lt3A_5 : i1
    %and3A = arith.andi %ne3A_6, %ne3A_2 : i1
    %add3A = arith.addi %rem3A, %select_n3A : i32
    %select_n3A_7 = arith.select %and3A, %add3A, %rem3A : i32
    %c0_i32 = arith.constant 0 : i32
    %c0_i32_8 = arith.constant 0 : i32
    return %select_n3A_7, %c0_i32 : i32, i32
  }
  func.func @transform_2(%arg0: i32) -> (i32, i32) {
    %c0_i32 = arith.constant 0 : i32
    %c0_i32_0 = arith.constant 0 : i32
    %c0_i32_1 = arith.constant 0 : i32
    return %c0_i32, %c0_i32_0 : i32, i32
  }
}

</mosaic_0001>

<sc_bundles>
// kernel: kernel.4.cloned.1.call-start
scs
__scs_entry_jumppad:
0x0: {  	(pc) =	sbr.rel $0x88, $3  }
0x1: {  	(tag) =	ssettag $0x0;
	lr =	simm.s32 $0x1  }
0x2: {  	[smem:$0x3F9E] =	sst lr;
	_ =	strace $0xD0000000  }
0x3: {  	_ = 	snop  }
0x4: {  	_ = 	snop  }
0x5: {  	_ = 	snop  }
0x6: {  	_ = 	snop  }
0x7: {  	_ = 	snop  }
__scs_overlays_trampoline_lowered:
0x8: {  	[smem:$0x3FAD] =	sst s0  }
0x9: {  	[smem:$0x3FAE] =	sst s1  }
0xa: {  	[smem:$0x3FAF] =	sst s2  }
0xb: {  	[smem:$0x3FB0] =	sst s3  }
0xc: {  	[smem:$0x3FB1] =	sst s4  }
0xd: {  	[smem:$0x3FB2] =	sst s5  }
0xe: {  	[smem:$0x3FB3] =	sst s6  }
0xf: {  	[smem:$0x3FB4] =	sst s7  }
0x10: {  	[smem:$0x3FB5] =	sst s8  }
0x11: {  	[smem:$0x3FB6] =	sst s9;
	s0 =	simm.s32 @!p0 $0x0  }
0x12: {  	s1 =	sld [smem:$0x3F9C];
	s0 =	simm.s32 @p0 $0x1  }
0x13: {  	[smem:$0x3FB7] =	sst s0;
	s0 =	simm.s32 @!p1 $0x0  }
0x14: {  	s2 =	sld [smem:$0x3F9B];
	s0 =	simm.s32 @p1 $0x1  }
0x15: {  	[smem:$0x3FB8] =	sst s0;
	s0 =	simm.s32 @!p2 $0x0  }
0x16: {  	s3 =	sld [smem:$0x3FDB];
	s0 =	simm.s32 @p2 $0x1  }
0x17: {  	s4 =	simm.s32 $0x1BF5;
	[smem:$0x3FBA] =	sst s0  }
0x18: {  	s0 =	sld [smem:$0x3F9D];
	_ =	swait.ge [sflag:s4], $0x0  }
0x19: {  	s7 =	sld [smem:$0x3F9E]  }
0x1a: {  	s8 =	sadd.s32 $0xFFFFE003, lr  }
0x1b: {  	s9 =	sadd.s32 $0xFFFFFEF7, lr;
	s5 =	simm.s32 $0xFFFFFFFF;
	p2 =	slt.u32 s8, $0xFFFFF086  }
0x1c: {  	p1 =	slt.u32 s9, $0xF7A;
	s5 =	simm.s32 @!p2 $0x0  }
0x1d: {  	s5 =	simm.s32 @p1 $0x1;
	p0 =	seq.s32 s7, s2  }
0x1e: {  	s7 =	smul.u32 @!p0 $0xF7A, s2;
	p2 =	seq.s32 @!p0 s5, $0x0  }
0x1f: {  	s9 =	smul.u32 $0xF7A, s1;
	s8 =	simm.s32 @!p0 $0x1BF5;
	p2 =	por !p2, p0  }
0x20: {  	[sflag:s8] =	ssyncset.s32 @!p0 $0xFFFFF086;
	s6 =	sadd.s32 @!p0 s3, s7;
	s7 =	simm.s32 @!p0 $0x108  }
0x21: {  	s3 =	sadd.s32 s3, s9;
	s6 =	sadd.s32 @!p0 $0x88, s6;
	s7 =	simm.s32 @p2 $0x1082  }
0x22: {  	[simem:s7], [sflag:s8] =	dma.local @!p0 [hbm:s6], $0xF7A  }
0x23: {  	s9 =	sor.u32 $0xD0000000, s2;
	s6 =	simm.s32 $0x108;
	_ =	swait.ge @!p0 [sflag:s8], $0x0  }
0x24: {  	s3 =	sadd.s32 $0x88, s3;
	s6 =	simm.s32 @!p1 $0x1082;
	[sflag:s4] =	ssyncset.s32 $0xFFFFF086  }
0x25: {  	[simem:s6], [sflag:s4] =	dma.local [hbm:s3], $0xF7A  }
0x26: {  	[smem:$0x3F9E] =	sst s1;
	(tag) =	ssettag s2;
	_ =	strace s9  }
0x27: {  	s1 =	sld [smem:$0x3FAE]  }
0x28: {  	s2 =	sld [smem:$0x3FAF]  }
0x29: {  	s4 =	sld [smem:$0x3FB1]  }
0x2a: {  	p0 =	seq.s32 s5, $0x0;
	s5 =	sld [smem:$0x3FB2]  }
0x2b: {  	s6 =	sld [smem:$0x3FB3]  }
0x2c: {  	s7 =	sld [smem:$0x3FB4]  }
0x2d: {  	s3 =	simm.s32 $0x108;
	s8 =	sld [smem:$0x3FB5]  }
0x2e: {  	s3 =	simm.s32 @!p0 $0x1082;
	s9 =	sld [smem:$0x3FB6]  }
0x2f: {  	lr =	sadd.s32 s0, s3;
	s0 =	sld [smem:$0x3FAD]  }
0x30: {  	s3 =	sld [smem:$0x3FB0]  }
0x31: {  	[smem:$0x3FB9] =	sst s10  }
0x32: {  	s10 =	sld [smem:$0x3FB7];
	_ =	sdelay $0x3  }
0x33: {  	p0 =	seq.s32 s10, $0x1;
	s10 =	sld [smem:$0x3FB9];
	_ =	sdelay $0x3  }
0x34: {  	[smem:$0x3FB9] =	sst s10  }
0x35: {  	s10 =	sld [smem:$0x3FB8];
	_ =	sdelay $0x3  }
0x36: {  	p1 =	seq.s32 s10, $0x1;
	s10 =	sld [smem:$0x3FB9];
	_ =	sdelay $0x3  }
0x37: {  	[smem:$0x3FB9] =	sst s10  }
0x38: {  	s10 =	sld [smem:$0x3FBA]  }
0x39: {  	_ = 	snop;
	(pc) =	sbr.ind lr, $3  }
0x3a: {  	_ = 	snop  }
0x3b: {  	_ = 	snop  }
0x3c: {  	p2 =	seq.s32 s10, $0x1;
	s10 =	sld [smem:$0x3FB9]  }
0x3d: {  	_ =	shalt  }
0x3e: {  	_ =	shalt  }
0x3f: {  	_ =	shalt  }
0x40: {  	_ =	shalt  }
0x41: {  	_ =	shalt  }
0x42: {  	_ =	shalt  }
0x43: {  	_ =	shalt  }
0x44: {  	_ =	shalt  }
0x45: {  	_ =	shalt  }
0x46: {  	_ =	shalt  }
0x47: {  	_ =	shalt  }
0x48: {  	_ =	shalt  }
0x49: {  	_ =	shalt  }
0x4a: {  	_ =	shalt  }
0x4b: {  	_ =	shalt  }
0x4c: {  	_ =	shalt  }
0x4d: {  	_ =	shalt  }
0x4e: {  	_ =	shalt  }
0x4f: {  	_ =	shalt  }
0x50: {  	_ =	shalt  }
0x51: {  	_ =	shalt  }
0x52: {  	_ =	shalt  }
0x53: {  	_ =	shalt  }
0x54: {  	_ =	shalt  }
0x55: {  	_ =	shalt  }
0x56: {  	_ =	shalt  }
0x57: {  	_ =	shalt  }
0x58: {  	_ =	shalt  }
0x59: {  	_ =	shalt  }
0x5a: {  	_ =	shalt  }
0x5b: {  	_ =	shalt  }
0x5c: {  	_ =	shalt  }
0x5d: {  	_ =	shalt  }
0x5e: {  	_ =	shalt  }
0x5f: {  	_ =	shalt  }
0x60: {  	_ =	shalt  }
0x61: {  	_ =	shalt  }
0x62: {  	_ =	shalt  }
0x63: {  	_ =	shalt  }
0x64: {  	_ =	shalt  }
0x65: {  	_ =	shalt  }
0x66: {  	_ =	shalt  }
0x67: {  	_ =	shalt  }
0x68: {  	_ =	shalt  }
0x69: {  	_ =	shalt  }
0x6a: {  	_ =	shalt  }
0x6b: {  	_ =	shalt  }
0x6c: {  	_ =	shalt  }
0x6d: {  	_ =	shalt  }
0x6e: {  	_ =	shalt  }
0x6f: {  	_ =	shalt  }
0x70: {  	_ =	shalt  }
0x71: {  	_ =	shalt  }
0x72: {  	_ =	shalt  }
0x73: {  	_ =	shalt  }
0x74: {  	_ =	shalt  }
0x75: {  	_ =	shalt  }
0x76: {  	_ =	shalt  }
0x77: {  	_ =	shalt  }
0x78: {  	_ =	shalt  }
0x79: {  	_ =	shalt  }
0x7a: {  	_ =	shalt  }
0x7b: {  	_ =	shalt  }
0x7c: {  	_ =	shalt  }
0x7d: {  	_ =	shalt  }
0x7e: {  	_ =	shalt  }
0x7f: {  	_ =	shalt  }
0x80: {  	_ =	shalt  }
0x81: {  	_ =	shalt  }
0x82: {  	_ =	shalt  }
0x83: {  	_ =	shalt  }
0x84: {  	_ =	shalt  }
0x85: {  	_ =	shalt  }
0x86: {  	_ =	shalt  }
0x87: {  	_ =	shalt  }
.Lfunc_end0:
.L_simem_size_0:
called_computation_lowered:
.L_overlay_start_0:
0x88: {  	s0 =	sld [smem:$0x3FD9]  }
0x89: {  	s1 =	sld [smem:$0x3FFE];
	_ =	sdelay $0x3  }
0x8a: {  	s0 =	sadd.s32 s1, s0  }
0x8b: {  	s4 =	simm.s32 $0x0;
	[smem:$0x3FC5] =	sst s0  }
0x8c: {  	[smem:$0xF] =	sst s4  }
0x8d: {  	s0 =	sld [smem:$0x3FC9]  }
0x8e: {  	s19 =	sld [smem:$0x3FC8]  }
0x8f: {  	s2 =	sld [smem:$0x3FC7]  }
0x90: {  	s3 =	sld [smem:$0x3FD0];
	(tm) =	ssettm $0x1  }
0x91: {  	s20 =	sld [smem:$0x3FFB];
	_ =	sdelay $0x3  }
0x92: {  	_ =	strace s20  }
0x93: {  	s4 =	sld [smem:$0x3FFC];
	_ =	sdelay $0x3  }
0x94: {  	_ =	strace s4  }
0x95: {  	s4 =	sld [smem:$0x3FFD];
	_ =	sdelay $0x3  }
0x96: {  	_ =	strace s4  }
0x97: {  	s21 =	simm.s32 $0x1B8B;
	_ =	strace $0x8FFFFFFF  }
0x98: {  	_ =	swait.ge [sflag:s21], $0x1  }
0x99: {  	s5 =	sld [smem:$0x3FFE]  }
0x9a: {  	[sflag:s21] =	ssyncset.done $0x0  }
0x9b: {  	s22 =	simm.s32 $0x1B8E;
	s6 =	simm.s32 $0x9;
	[sflag:s21] =	ssyncadd.s32 $0xFFFFFFFF  }
0x9c: {  	s24 =	simm.s32 $0xA;
	s26 =	simm.s32 $0xB;
	[smem:$0x3FD2] =	sst s22  }
0x9d: {  	_ =	strace $0x80000046;
	s23 =	sadd.s32 $0xC00, s5;
	s25 =	sadd.s32 $0xE00, s5  }
0x9e: {  	[hbm:s23], [sflag:s6] =	dma.local [hbm:s0], $0x200  }
0x9f: {  	[hbm:s3], [sflag:s24] =	dma.local [hbm:s19], $0x800  }
0xa0: {  	[hbm:s25], [sflag:s26] =	dma.local [hbm:s2], $0x800  }
0xa1: {  	_ =	swait.ge [sflag:s6], $0x200  }
0xa2: {  	[sflag:s6] =	ssyncset.done $0x0  }
0xa3: {  	[sflag:s6] =	ssyncadd.s32 $0xFFFFFE00;
	_ =	sdelay $0x2  }
0xa4: {  	_ =	swait.ge [sflag:s24], $0x800  }
0xa5: {  	[sflag:s24] =	ssyncset.done $0x0  }
0xa6: {  	[sflag:s24] =	ssyncadd.s32 $0xFFFFF800;
	_ =	sdelay $0x2  }
0xa7: {  	_ =	swait.ge [sflag:s26], $0x800  }
0xa8: {  	[sflag:s26] =	ssyncset.done $0x0  }
0xa9: {  	[sflag:s26] =	ssyncadd.s32 $0xFFFFF800  }
0xaa: {  	_ =	strace $0x90000046  }
0xab: {  	_ =	sfence  }
0xac: {  	s28 =	sld [smem:$0x0];
	_ =	sdelay $0x1  }
0xad: {  	s29 =	srdreg.scid  }
0xae: {  	s30 =	sshll.u32 s29, $0xD;
	s31 =	sshrl.u32 s29, $0x2  }
0xaf: {  	s1 =	sand.u32 $0x1, s29;
	s2 =	sand.u32 $0x4000, s30;
	s0 =	sadd.s32 s31, s28  }
0xb0: {  	s1 =	sor.u32 s2, s1;
	s0 =	sshll.u32 s0, $0x11  }
0xb1: {  	s0 =	sor.u32 s0, s1  }
0xb2: {  	s0 =	sadd.s32 $0x8F2B, s0;
	(pc) =	sbr.abs _section_cstart, $3  }
0xb3: {  	[sflag:s0] =	ssyncadd.remote.s32 $0x1  }
0xb4: {  	_ =	strace $0x9FFFFFFF  }
0xb5: {  	(tm) =	ssettm $0x7FFFFFFF  }

</sc_bundles>
